<compile_context>
chip_gen: v7x
topology: tpu7x:2x2x1
jax: 0.10.2.dev20260603
libtpu: 0.0.44.dev20260713+nightly
codegen_flags: <defaults>
</compile_context>

<pallas_src>
import functools

import jax
import jax.numpy as jnp
from jax import lax
from jax.experimental import pallas as pl
from jax.experimental.pallas import tpu as pltpu
from jax.experimental.pallas import tpu_sc as plsc

B, H, W, C = 32, 16, 16, 384
D, K = 256, 1024
N = B * C


def _argmin_body(x_ref, emb_ref, idx_ref, embt_ref, e2_ref, emb2_ref):
    b = pl.program_id(0)

    @pl.when(b == 0)
    def _():
        e2_ref[...] = jnp.sum(emb_ref[...] ** 2, axis=0, keepdims=True)
        emb2_ref[...] = emb_ref[...] + emb_ref[...]
        embt_ref[...] = emb_ref[...].T.reshape(2 * K, 128)

    xb = x_ref[0]
    mm2 = lax.dot_general(
        xb, emb2_ref[...],
        dimension_numbers=(((0,), (0,)), ((), ())),
        preferred_element_type=jnp.float32,
    )
    f2 = jnp.sum(xb ** 2, axis=0)
    dists = (f2[:, None] + e2_ref[...]) - mm2
    m = jnp.min(dists, axis=1, keepdims=True)
    ks = lax.broadcasted_iota(jnp.int32, dists.shape, 1).astype(jnp.float32)
    sel = jnp.where(dists == m, ks, jnp.float32(K))
    idx_ref[0, 0, :] = jnp.min(sel, axis=1).astype(jnp.int32)


def _tc_argmin(x, embeddings):
    return pl.pallas_call(
        _argmin_body,
        grid=(B,),
        in_specs=[
            pl.BlockSpec((1, D, C), lambda b: (b, 0, 0)),
            pl.BlockSpec((D, K), lambda b: (0, 0)),
        ],
        out_specs=[
            pl.BlockSpec((1, 1, C), lambda b: (b, 0, 0)),
            pl.BlockSpec((2 * K, 128), lambda b: (0, 0)),
        ],
        out_shape=[
            jax.ShapeDtypeStruct((B, 1, C), jnp.int32),
            jax.ShapeDtypeStruct((2 * K, 128), jnp.float32),
        ],
        scratch_shapes=[pltpu.VMEM((1, K), jnp.float32),
                        pltpu.VMEM((D, K), jnp.float32)],
    )(x, embeddings)


@functools.lru_cache(maxsize=None)
def _make_sc_gather():
    info = plsc.get_sparse_core_info()
    nw = info.num_cores * info.num_subcores
    n_per_w = N // nw
    mesh = plsc.VectorSubcoreMesh(core_axis_name="c", subcore_axis_name="s")

    @functools.partial(
        pl.kernel, mesh=mesh,
        out_type=jax.ShapeDtypeStruct((2 * N, 128), jnp.float32),
        scratch_types=[
            pltpu.VMEM((n_per_w + 16,), jnp.int32),
            pltpu.VMEM((2 * n_per_w,), jnp.int32),
            pltpu.VMEM((2 * n_per_w, 128), jnp.float32),
            pltpu.SemaphoreType.DMA,
        ],
    )
    def gather(table_hbm, idx_hbm, out_hbm, idx_v, idx2_v, rows_v, sem):
        wid = lax.axis_index("s") * info.num_cores + lax.axis_index("c")
        base = wid * n_per_w
        pltpu.sync_copy(idx_hbm.at[pl.ds(base, n_per_w)],
                        idx_v.at[pl.ds(0, n_per_w)])

        lanes = lax.iota(jnp.int32, 16)
        dup = lanes >> 1
        parity = lanes & 1

        def build(g, carry):
            k = idx_v[pl.ds(g * 8, 16)]
            e = lax.gather(
                k, dup[:, None],
                lax.GatherDimensionNumbers(offset_dims=(),
                                           collapsed_slice_dims=(0,),
                                           start_index_map=(0,)),
                (1,), mode=lax.GatherScatterMode.PROMISE_IN_BOUNDS)
            idx2_v[pl.ds(g * 16, 16)] = e + e + parity
            return carry

        lax.fori_loop(0, (2 * n_per_w) // 16, build, 0)
        pltpu.async_copy(table_hbm.at[idx2_v], rows_v, sem).wait()
        pltpu.sync_copy(rows_v, out_hbm.at[pl.ds(2 * base, 2 * n_per_w)])

    return gather


def _finalize_body(q_ref, out_ref):
    a = q_ref[...].reshape(C, D)
    out_ref[0] = a.T.reshape(H, W, C)


def _tc_finalize(q2):
    return pl.pallas_call(
        _finalize_body,
        grid=(B,),
        in_specs=[pl.BlockSpec((2 * C, 128), lambda b: (b, 0))],
        out_specs=pl.BlockSpec((1, H, W, C), lambda b: (b, 0, 0, 0)),
        out_shape=jax.ShapeDtypeStruct((B, H, W, C), jnp.float32),
    )(q2)


def kernel(x, embeddings):
    x_r = x.reshape(B, H * W, C)
    idx3, table2 = _tc_argmin(x_r, embeddings)
    idx_flat = idx3.reshape(N)
    q2 = _make_sc_gather()(table2, idx_flat)
    quantised = _tc_finalize(q2)
    discretised = idx3.reshape(B, C)
    return (quantised, discretised)

# --- scband reference (transcript-rebuilt; emitter-appended) ---
"""Pipeline reference for scband-vector-quantiser-77369540870566 (READ-ONLY COPY).

The authoritative reference and input builder live on the scoring server;
editing this copy changes nothing except your own understanding.
"""

import jax, jax.numpy as jnp
import numpy as np

B, H, W, C = 32, 16, 16, 384
D, K = 256, 1024


def setup_inputs(seed: int = 0) -> dict:
    key = jax.random.key(seed)
    k1, k2 = jax.random.split(key)
    x = jax.random.normal(k1, (B, H, W, C), dtype=jnp.float32)
    # learned codebook, shape (embedding_dim, num_embeddings) as in the Keras layer
    embeddings = jax.random.normal(k2, (D, K), dtype=jnp.float32) * 0.05
    return {"x": x, "embeddings": embeddings}


def reference(x, embeddings):
    b, h, w, c = x.shape
    d, k = embeddings.shape
    # einops 'b h w c -> b c (h w)'
    continuous = jnp.transpose(x, (0, 3, 1, 2)).reshape(b, c, h * w)
    flat = continuous.reshape(-1, d)
    # squared-distance argmin against codebook columns
    dists = (jnp.sum(jnp.power(flat, 2.0), axis=1, keepdims=True)
             + jnp.sum(jnp.power(embeddings, 2.0), axis=0)
             - 2.0 * jnp.matmul(flat, embeddings))
    discretised = jnp.argmin(dists, axis=1)
    one_hot = jax.nn.one_hot(discretised, k, dtype=flat.dtype)
    quantised = jnp.matmul(one_hot, embeddings.T).reshape(continuous.shape)
    # einops 'b c (h w) -> b h w c'
    quantised = jnp.transpose(quantised.reshape(b, c, h, w), (0, 2, 3, 1))
    discretised = discretised.reshape(-1, quantised.shape[-1])
    # straight-through estimator
    quantised = x + jax.lax.stop_gradient(quantised - x)
    return (quantised, discretised)

if __name__ == "__main__":
    import jax
    _d = setup_inputs()
    print(jax.jit(kernel)(*tuple(_d.values())))

</pallas_src>

<mosaic_0001>
#map = affine_map<(d0, d1) -> (0, 0)>
#map1 = affine_map<(d0, d1) -> (0)>
module attributes {stable_mosaic.version = 14 : i64} {
  func.func @gather(%arg0: i32, %arg1: i32, %arg2: memref<2048x128xf32, #tpu.memory_space<hbm>>, %arg3: memref<12288xi32, #tpu.memory_space<hbm>>, %arg4: memref<24576x128xf32, #tpu.memory_space<hbm>>, %arg5: memref<400xi32, #tpu.memory_space<vmem>>, %arg6: memref<768xi32, #tpu.memory_space<vmem>>, %arg7: memref<768x128xf32, #tpu.memory_space<vmem>>, %arg8: memref<!tpu.dma_semaphore, #tpu.memory_space<semaphore_mem>>) attributes {dimension_semantics = [#tpu.dimension_semantics<core_parallel>, #tpu.dimension_semantics<subcore_parallel>], iteration_bounds = array<i64: 2, 16>, scalar_prefetch = 0 : i64, scratch_operands = 4 : i64, tpu.core_type = #tpu.core_type<sc_vector_subcore>, window_params = [{transform_indices = #map}, {transform_indices = #map1}, {transform_indices = #map}]} {
    %mul3A = arith.constant 2 : i32
    %mul3A_0 = arith.muli %arg1, %mul3A : i32
    %add3A = arith.addi %mul3A_0, %arg0 : i32
    %mul3A_1 = arith.constant 384 : i32
    %mul3A_2 = arith.muli %add3A, %mul3A_1 : i32
    "tpu.region"() ({
      %run_scoped3A = tpu.sem_alloc : memref<!tpu.dma_semaphore, #tpu.memory_space<semaphore_mem>>
      %dma_start3A_18 = arith.constant 0 : i32
      %dma_start3A_19 = tpu.memref_slice %arg5[%dma_start3A_18] : memref<400xi32, #tpu.memory_space<vmem>> -> memref<384xi32, #tpu.memory_space<vmem>>
      %dma_start3A_20 = tpu.memref_slice %arg3[%mul3A_2] : memref<12288xi32, #tpu.memory_space<hbm>> -> memref<384xi32, #tpu.memory_space<hbm>>
      %dma_start3A_21 = arith.constant 0 : i32
      %dma_start3A_22 = tpu.memref_slice %arg5[%dma_start3A_21] : memref<400xi32, #tpu.memory_space<vmem>> -> memref<384xi32, #tpu.memory_space<vmem>>
      %dma_start3A_23 = tpu.memref_slice %arg3[%mul3A_2] : memref<12288xi32, #tpu.memory_space<hbm>> -> memref<384xi32, #tpu.memory_space<hbm>>
      tpu.enqueue_dma source(%dma_start3A_23 : memref<384xi32, #tpu.memory_space<hbm>>) target(%dma_start3A_22 : memref<384xi32, #tpu.memory_space<vmem>>) target_semaphore(%run_scoped3A : memref<!tpu.dma_semaphore, #tpu.memory_space<semaphore_mem>>)
      %dma_wait3A_24 = arith.constant 0 : i32
      %dma_wait3A_25 = tpu.memref_slice %arg5[%dma_wait3A_24] : memref<400xi32, #tpu.memory_space<vmem>> -> memref<384xi32, #tpu.memory_space<vmem>>
      %dma_wait3A_26 = tpu.memref_slice %arg3[%mul3A_2] : memref<12288xi32, #tpu.memory_space<hbm>> -> memref<384xi32, #tpu.memory_space<hbm>>
      %dma_wait3A_27 = arith.constant 0 : i32
      %dma_wait3A_28 = tpu.memref_slice %arg5[%dma_wait3A_27] : memref<400xi32, #tpu.memory_space<vmem>> -> memref<384xi32, #tpu.memory_space<vmem>>
      %dma_wait3A_29 = tpu.memref_slice %arg3[%mul3A_2] : memref<12288xi32, #tpu.memory_space<hbm>> -> memref<384xi32, #tpu.memory_space<hbm>>
      tpu.wait_dma2 semaphore(%run_scoped3A : memref<!tpu.dma_semaphore, #tpu.memory_space<semaphore_mem>>) src(%dma_wait3A_29 : memref<384xi32, #tpu.memory_space<hbm>>) dst(%dma_wait3A_28 : memref<384xi32, #tpu.memory_space<vmem>>)
      tpu.yield
    }) : () -> ()
    %iota3A = tpu.iota {dimensions = array<i32: 0>} : vector<16xi32>
    %shift_right_arithmetic3A = arith.constant 1 : i32
    %shift_right_arithmetic3A_3 = vector.broadcast %shift_right_arithmetic3A : i32 to vector<16xi32>
    %shift_right_arithmetic3A_4 = arith.shrsi %iota3A, %shift_right_arithmetic3A_3 : vector<16xi32>
    %and3A = arith.constant 1 : i32
    %and3A_5 = vector.broadcast %and3A : i32 to vector<16xi32>
    %and3A_6 = arith.andi %iota3A, %and3A_5 : vector<16xi32>
    %scan3A = arith.constant 0 : i32
    %scan3A_7 = arith.constant 0 : i32
    %scan3A_8 = arith.constant 48 : i32
    %scan3A_9 = arith.addi %scan3A_7, %scan3A_8 : i32
    %scan3A_10 = arith.constant 1 : i32
    scf.for %scan3A_18 = %scan3A_7 to %scan3A_9 step %scan3A_10  : i32 {
      %mul3A_19 = arith.constant 8 : i32
      %mul3A_20 = arith.muli %scan3A_18, %mul3A_19 : i32
      %get3A = arith.index_cast %mul3A_20 : i32 to index
      %get3A_21 = tpu.vector_load %arg5[%get3A] {strides = array<i32>} : memref<400xi32, #tpu.memory_space<vmem>>, vector<16xi32>,
      %get3A_22 = vector.shape_cast %get3A_21 : vector<16xi32> to vector<16xi32>
      %broadcast_in_dim3A = vector.shape_cast %shift_right_arithmetic3A_4 : vector<16xi32> to vector<16x1xi32>
      %gather3A = vector.shape_cast %broadcast_in_dim3A : vector<16x1xi32> to vector<16xi32>
      %gather3A_23 = tpu.dynamic_gather %get3A_22[%gather3A] in [0] : vector<16xi32>, vector<16xi32> -> vector<16xi32>
      %add3A_24 = arith.addi %gather3A_23, %gather3A_23 : vector<16xi32>
      %add3A_25 = arith.addi %add3A_24, %and3A_6 : vector<16xi32>
      %mul3A_26 = arith.constant 16 : i32
      %mul3A_27 = arith.muli %scan3A_18, %mul3A_26 : i32
      %swap3A = arith.index_cast %mul3A_27 : i32 to index
      %swap3A_28 = tpu.vector_load %arg6[%swap3A] {strides = array<i32>} : memref<768xi32, #tpu.memory_space<vmem>>, vector<16xi32>,
      %swap3A_29 = vector.shape_cast %swap3A_28 : vector<16xi32> to vector<16xi32>
      %swap3A_30 = vector.shape_cast %add3A_25 : vector<16xi32> to vector<16xi32>
      tpu.vector_store %arg6[%swap3A], %swap3A_30 {strides = array<i32>} : memref<768xi32, #tpu.memory_space<vmem>>, vector<16xi32>,
    }
    %scan3A_11 = arith.constant 48 : i32
    %dma_start3A = arith.constant 0 : i32
    %dma_start3A_12 = arith.constant 0 : i32
    %dma_start3A_13 = tpu.memref_slice %arg2[%dma_start3A, %dma_start3A_12] : memref<2048x128xf32, #tpu.memory_space<hbm>> -> memref<2048x128xf32, #tpu.memory_space<hbm>>
    tpu.enqueue_indirect_dma source(%dma_start3A_13 : memref<2048x128xf32, #tpu.memory_space<hbm>>) target(%arg7 : memref<768x128xf32, #tpu.memory_space<vmem>>) offsets(%arg6 : memref<768xi32, #tpu.memory_space<vmem>>) semaphore(%arg8 : memref<!tpu.dma_semaphore, #tpu.memory_space<semaphore_mem>>)
    %dma_wait3A = arith.constant 0 : i32
    %dma_wait3A_14 = arith.constant 0 : i32
    %dma_wait3A_15 = tpu.memref_slice %arg2[%dma_wait3A, %dma_wait3A_14] : memref<2048x128xf32, #tpu.memory_space<hbm>> -> memref<2048x128xf32, #tpu.memory_space<hbm>>
    tpu.wait_indirect_dma semaphore(%arg8 : memref<!tpu.dma_semaphore, #tpu.memory_space<semaphore_mem>>) src(%dma_wait3A_15 : memref<2048x128xf32, #tpu.memory_space<hbm>>) dst(%arg7 : memref<768x128xf32, #tpu.memory_space<vmem>>)
    %mul3A_16 = arith.constant 2 : i32
    %mul3A_17 = arith.muli %mul3A_16, %mul3A_2 : i32
    "tpu.region"() ({
      %run_scoped3A = tpu.sem_alloc : memref<!tpu.dma_semaphore, #tpu.memory_space<semaphore_mem>>
      %dma_start3A_18 = arith.constant 0 : i32
      %dma_start3A_19 = tpu.memref_slice %arg4[%mul3A_17, %dma_start3A_18] : memref<24576x128xf32, #tpu.memory_space<hbm>> -> memref<768x128xf32, #tpu.memory_space<hbm>>
      %dma_start3A_20 = arith.constant 0 : i32
      %dma_start3A_21 = tpu.memref_slice %arg4[%mul3A_17, %dma_start3A_20] : memref<24576x128xf32, #tpu.memory_space<hbm>> -> memref<768x128xf32, #tpu.memory_space<hbm>>
      tpu.enqueue_dma source(%arg7 : memref<768x128xf32, #tpu.memory_space<vmem>>) target(%dma_start3A_21 : memref<768x128xf32, #tpu.memory_space<hbm>>) target_semaphore(%run_scoped3A : memref<!tpu.dma_semaphore, #tpu.memory_space<semaphore_mem>>)
      %dma_wait3A_22 = arith.constant 0 : i32
      %dma_wait3A_23 = tpu.memref_slice %arg4[%mul3A_17, %dma_wait3A_22] : memref<24576x128xf32, #tpu.memory_space<hbm>> -> memref<768x128xf32, #tpu.memory_space<hbm>>
      %dma_wait3A_24 = arith.constant 0 : i32
      %dma_wait3A_25 = tpu.memref_slice %arg4[%mul3A_17, %dma_wait3A_24] : memref<24576x128xf32, #tpu.memory_space<hbm>> -> memref<768x128xf32, #tpu.memory_space<hbm>>
      tpu.wait_dma2 semaphore(%run_scoped3A : memref<!tpu.dma_semaphore, #tpu.memory_space<semaphore_mem>>) src(%arg7 : memref<768x128xf32, #tpu.memory_space<vmem>>) dst(%dma_wait3A_25 : memref<768x128xf32, #tpu.memory_space<hbm>>)
      tpu.yield
    }) : () -> ()
    return
  }
}

module attributes {stable_mosaic.version = 14 : i64} {
  func.func @_finalize_body(%arg0: i32, %arg1: memref<768x128xf32, #tpu.memory_space<vmem>>, %arg2: memref<1x16x16x384xf32, #tpu.memory_space<vmem>>) attributes {dimension_semantics = [#tpu.dimension_semantics<arbitrary>], iteration_bounds = array<i64: 32>, scalar_prefetch = 0 : i64, scratch_operands = 0 : i64, tpu.core_type = #tpu.core_type<tc>, window_params = [{transform_indices = @transform_0, window_bounds = array<i64: 768, 128>}, {transform_indices = @transform_1, window_bounds = array<i64: 1, 16, 16, 384>}]} {
    %get3A = arith.constant 0 : index
    %get3A_0 = arith.constant 0 : index
    %get3A_1 = vector.load %arg1[%get3A, %get3A_0] : memref<768x128xf32, #tpu.memory_space<vmem>>, vector<768x128xf32>
    %reshape3A = vector.shape_cast %get3A_1 : vector<768x128xf32> to vector<384x256xf32>
    %transpose3A = tpu.transpose %reshape3A, [1, 0] : vector<384x256xf32> -> vector<256x384xf32>
    %reshape3A_2 = vector.shape_cast %transpose3A : vector<256x384xf32> to vector<16x16x384xf32>
    %swap3A = arith.constant 0 : index
    %swap3A_3 = arith.constant 0 : index
    %swap3A_4 = arith.constant 0 : index
    %swap3A_5 = arith.constant 0 : index
    %swap3A_6 = vector.load %arg2[%swap3A, %swap3A_3, %swap3A_4, %swap3A_5] : memref<1x16x16x384xf32, #tpu.memory_space<vmem>>, vector<1x16x16x384xf32>
    %swap3A_7 = vector.shape_cast %swap3A_6 : vector<1x16x16x384xf32> to vector<16x16x384xf32>
    %swap3A_8 = vector.shape_cast %reshape3A_2 : vector<16x16x384xf32> to vector<1x16x16x384xf32>
    tpu.vector_store %arg2[%swap3A, %swap3A_3, %swap3A_4, %swap3A_5], %swap3A_8 {strides = array<i32>} : memref<1x16x16x384xf32, #tpu.memory_space<vmem>>, vector<1x16x16x384xf32>,
    return
  }
  func.func @transform_0(%arg0: i32) -> (i32, i32) {
    %c0_i32 = arith.constant 0 : i32
    %c0_i32_0 = arith.constant 0 : i32
    return %arg0, %c0_i32 : i32, i32
  }
  func.func @transform_1(%arg0: i32) -> (i32, i32, i32, i32) {
    %c0_i32 = arith.constant 0 : i32
    %c0_i32_0 = arith.constant 0 : i32
    %c0_i32_1 = arith.constant 0 : i32
    %c0_i32_2 = arith.constant 0 : i32
    return %arg0, %c0_i32, %c0_i32_0, %c0_i32_1 : i32, i32, i32, i32
  }
}

module attributes {stable_mosaic.version = 14 : i64} {
  func.func @_argmin_body(%arg0: i32, %arg1: memref<1x256x384xf32, #tpu.memory_space<vmem>>, %arg2: memref<256x1024xf32, #tpu.memory_space<vmem>>, %arg3: memref<1x1x384xi32, #tpu.memory_space<vmem>>, %arg4: memref<2048x128xf32, #tpu.memory_space<vmem>>, %arg5: memref<1x1024xf32, #tpu.memory_space<vmem>>, %arg6: memref<256x1024xf32, #tpu.memory_space<vmem>>) attributes {dimension_semantics = [#tpu.dimension_semantics<arbitrary>], iteration_bounds = array<i64: 32>, scalar_prefetch = 0 : i64, scratch_operands = 2 : i64, tpu.core_type = #tpu.core_type<tc>, window_params = [{transform_indices = @transform_0, window_bounds = array<i64: 1, 256, 384>}, {pipeline_mode = #tpu.pipeline_mode<synchronous>, transform_indices = @transform_1, window_bounds = array<i64: 256, 1024>}, {transform_indices = @transform_2, window_bounds = array<i64: 1, 1, 384>}, {pipeline_mode = #tpu.pipeline_mode<synchronous>, transform_indices = @transform_3, window_bounds = array<i64: 2048, 128>}]} {
    %eq3A = arith.constant 0 : i32
    %eq3A_0 = arith.cmpi eq, %arg0, %eq3A : i32
    %convert_element_type3A = arith.extui %eq3A_0 : i1 to i32
    %cond3A = arith.constant 0 : i32
    %cond3A_1 = arith.cmpi ne, %convert_element_type3A, %cond3A : i32
    scf.if %cond3A_1 {
      %get3A_30 = arith.constant 0 : index
      %get3A_31 = arith.constant 0 : index
      %get3A_32 = vector.load %arg2[%get3A_30, %get3A_31] : memref<256x1024xf32, #tpu.memory_space<vmem>>, vector<256x1024xf32>
      %integer_pow3A_33 = arith.mulf %get3A_32, %get3A_32 : vector<256x1024xf32>
      %reduce_sum3A_34 = arith.constant dense<0.000000e+00> : vector<1024xf32>
      %reduce_sum3A_35 = vector.multi_reduction <add>, %integer_pow3A_33, %reduce_sum3A_34 [0] : vector<256x1024xf32> to vector<1024xf32>
      %broadcast_in_dim3A_36 = vector.shape_cast %reduce_sum3A_35 : vector<1024xf32> to vector<1x1024xf32>
      %swap3A_37 = arith.constant 0 : index
      %swap3A_38 = arith.constant 0 : index
      %swap3A_39 = vector.load %arg5[%swap3A_37, %swap3A_38] : memref<1x1024xf32, #tpu.memory_space<vmem>>, vector<1x1024xf32>
      tpu.vector_store %arg5[%swap3A_37, %swap3A_38], %broadcast_in_dim3A_36 {strides = array<i32>} : memref<1x1024xf32, #tpu.memory_space<vmem>>, vector<1x1024xf32>,
      %get3A_40 = arith.constant 0 : index
      %get3A_41 = arith.constant 0 : index
      %get3A_42 = vector.load %arg2[%get3A_40, %get3A_41] : memref<256x1024xf32, #tpu.memory_space<vmem>>, vector<256x1024xf32>
      %get3A_43 = arith.constant 0 : index
      %get3A_44 = arith.constant 0 : index
      %get3A_45 = vector.load %arg2[%get3A_43, %get3A_44] : memref<256x1024xf32, #tpu.memory_space<vmem>>, vector<256x1024xf32>
      %add3A_46 = arith.addf %get3A_42, %get3A_45 : vector<256x1024xf32>
      %swap3A_47 = arith.constant 0 : index
      %swap3A_48 = arith.constant 0 : index
      %swap3A_49 = vector.load %arg6[%swap3A_47, %swap3A_48] : memref<256x1024xf32, #tpu.memory_space<vmem>>, vector<256x1024xf32>
      tpu.vector_store %arg6[%swap3A_47, %swap3A_48], %add3A_46 {strides = array<i32>} : memref<256x1024xf32, #tpu.memory_space<vmem>>, vector<256x1024xf32>,
      %get3A_50 = arith.constant 0 : index
      %get3A_51 = arith.constant 0 : index
      %get3A_52 = vector.load %arg2[%get3A_50, %get3A_51] : memref<256x1024xf32, #tpu.memory_space<vmem>>, vector<256x1024xf32>
      %transpose3A = tpu.transpose %get3A_52, [1, 0] : vector<256x1024xf32> -> vector<1024x256xf32>
      %reshape3A = vector.shape_cast %transpose3A : vector<1024x256xf32> to vector<2048x128xf32>
      %swap3A_53 = arith.constant 0 : index
      %swap3A_54 = arith.constant 0 : index
      %swap3A_55 = vector.load %arg4[%swap3A_53, %swap3A_54] : memref<2048x128xf32, #tpu.memory_space<vmem>>, vector<2048x128xf32>
      tpu.vector_store %arg4[%swap3A_53, %swap3A_54], %reshape3A {strides = array<i32>} : memref<2048x128xf32, #tpu.memory_space<vmem>>, vector<2048x128xf32>,
    } else {
    }
    %get3A = arith.constant 0 : index
    %get3A_2 = arith.constant 0 : index
    %get3A_3 = arith.constant 0 : index
    %get3A_4 = vector.load %arg1[%get3A, %get3A_2, %get3A_3] : memref<1x256x384xf32, #tpu.memory_space<vmem>>, vector<1x256x384xf32>
    %get3A_5 = vector.shape_cast %get3A_4 : vector<1x256x384xf32> to vector<256x384xf32>
    %get3A_6 = arith.constant 0 : index
    %get3A_7 = arith.constant 0 : index
    %get3A_8 = vector.load %arg6[%get3A_6, %get3A_7] : memref<256x1024xf32, #tpu.memory_space<vmem>>, vector<256x1024xf32>
    %dot_general3A = arith.constant dense<0.000000e+00> : vector<384x1024xf32>
    %dot_general3A_9 = tpu.matmul %get3A_5, %get3A_8, %dot_general3A {dimension_numbers = #tpu.dot_dimension_numbers<[0], [0], [1], [1], [0, 1, 1, 1], [], []>, transpose_lhs_hint = false} : vector<256x384xf32>, vector<256x1024xf32>, vector<384x1024xf32> -> vector<384x1024xf32>
    %integer_pow3A = arith.mulf %get3A_5, %get3A_5 : vector<256x384xf32>
    %reduce_sum3A = arith.constant dense<0.000000e+00> : vector<384xf32>
    %reduce_sum3A_10 = vector.multi_reduction <add>, %integer_pow3A, %reduce_sum3A [0] : vector<256x384xf32> to vector<384xf32>
    %broadcast_in_dim3A = vector.shape_cast %reduce_sum3A_10 : vector<384xf32> to vector<384x1xf32>
    %get3A_11 = arith.constant 0 : index
    %get3A_12 = arith.constant 0 : index
    %get3A_13 = vector.load %arg5[%get3A_11, %get3A_12] : memref<1x1024xf32, #tpu.memory_space<vmem>>, vector<1x1024xf32>
    %add3A = vector.broadcast %broadcast_in_dim3A : vector<384x1xf32> to vector<384x1024xf32>
    %add3A_14 = vector.broadcast %get3A_13 : vector<1x1024xf32> to vector<384x1024xf32>
    %add3A_15 = arith.addf %add3A, %add3A_14 : vector<384x1024xf32>
    %sub3A = arith.subf %add3A_15, %dot_general3A_9 : vector<384x1024xf32>
    %reduce_min3A = arith.constant dense<0x7F800000> : vector<384xf32>
    %reduce_min3A_16 = vector.multi_reduction <minimumf>, %sub3A, %reduce_min3A [1] : vector<384x1024xf32> to vector<384xf32>
    %broadcast_in_dim3A_17 = vector.shape_cast %reduce_min3A_16 : vector<384xf32> to vector<384x1xf32>
    %iota3A = tpu.iota {dimensions = array<i32: 1>} : vector<384x1024xi32>
    %convert_element_type3A_18 = arith.sitofp %iota3A : vector<384x1024xi32> to vector<384x1024xf32>
    %eq3A_19 = vector.broadcast %broadcast_in_dim3A_17 : vector<384x1xf32> to vector<384x1024xf32>
    %eq3A_20 = arith.cmpf oeq, %sub3A, %eq3A_19 : vector<384x1024xf32>
    %jit3A = arith.constant 1.024000e+03 : f32
    %broadcast_in_dim3A_21 = vector.broadcast %jit3A : f32 to vector<384x1024xf32>
    %select_n3A = arith.select %eq3A_20, %convert_element_type3A_18, %broadcast_in_dim3A_21 : vector<384x1024xi1>, vector<384x1024xf32>
    %reduce_min3A_22 = arith.constant dense<0x7F800000> : vector<384xf32>
    %reduce_min3A_23 = vector.multi_reduction <minimumf>, %select_n3A, %reduce_min3A_22 [1] : vector<384x1024xf32> to vector<384xf32>
    %convert_element_type3A_24 = arith.fptosi %reduce_min3A_23 : vector<384xf32> to vector<384xi32>
    %swap3A = arith.constant 0 : index
    %swap3A_25 = arith.constant 0 : index
    %swap3A_26 = arith.constant 0 : index
    %swap3A_27 = vector.load %arg3[%swap3A, %swap3A_25, %swap3A_26] : memref<1x1x384xi32, #tpu.memory_space<vmem>>, vector<1x1x384xi32>
    %swap3A_28 = vector.shape_cast %swap3A_27 : vector<1x1x384xi32> to vector<384xi32>
    %swap3A_29 = vector.shape_cast %convert_element_type3A_24 : vector<384xi32> to vector<1x1x384xi32>
    tpu.vector_store %arg3[%swap3A, %swap3A_25, %swap3A_26], %swap3A_29 {strides = array<i32>} : memref<1x1x384xi32, #tpu.memory_space<vmem>>, vector<1x1x384xi32>,
    return
  }
  func.func @transform_0(%arg0: i32) -> (i32, i32, i32) {
    %c0_i32 = arith.constant 0 : i32
    %c0_i32_0 = arith.constant 0 : i32
    %c0_i32_1 = arith.constant 0 : i32
    return %arg0, %c0_i32, %c0_i32_0 : i32, i32, i32
  }
  func.func @transform_1(%arg0: i32) -> (i32, i32) {
    %c0_i32 = arith.constant 0 : i32
    %c0_i32_0 = arith.constant 0 : i32
    %c0_i32_1 = arith.constant 0 : i32
    return %c0_i32, %c0_i32_0 : i32, i32
  }
  func.func @transform_2(%arg0: i32) -> (i32, i32, i32) {
    %c0_i32 = arith.constant 0 : i32
    %c0_i32_0 = arith.constant 0 : i32
    %c0_i32_1 = arith.constant 0 : i32
    return %arg0, %c0_i32, %c0_i32_0 : i32, i32, i32
  }
  func.func @transform_3(%arg0: i32) -> (i32, i32) {
    %c0_i32 = arith.constant 0 : i32
    %c0_i32_0 = arith.constant 0 : i32
    %c0_i32_1 = arith.constant 0 : i32
    return %c0_i32, %c0_i32_0 : i32, i32
  }
}

</mosaic_0001>

<sc_bundles>
// kernel: kernel.5.cloned.1.call-start
scs
__scs_entry_jumppad:
0x0: {  	(pc) =	sbr.rel $0x88, $3  }
0x1: {  	(tag) =	ssettag $0x0;
	lr =	simm.s32 $0x1  }
0x2: {  	[smem:$0x3F9F] =	sst lr;
	_ =	strace $0xD0000000  }
0x3: {  	_ = 	snop  }
0x4: {  	_ = 	snop  }
0x5: {  	_ = 	snop  }
0x6: {  	_ = 	snop  }
0x7: {  	_ = 	snop  }
__scs_overlays_trampoline_lowered:
0x8: {  	[smem:$0x3FAE] =	sst s0  }
0x9: {  	[smem:$0x3FAF] =	sst s1  }
0xa: {  	[smem:$0x3FB0] =	sst s2  }
0xb: {  	[smem:$0x3FB1] =	sst s3  }
0xc: {  	[smem:$0x3FB2] =	sst s4  }
0xd: {  	[smem:$0x3FB3] =	sst s5  }
0xe: {  	[smem:$0x3FB4] =	sst s6  }
0xf: {  	[smem:$0x3FB5] =	sst s7  }
0x10: {  	[smem:$0x3FB6] =	sst s8  }
0x11: {  	[smem:$0x3FB7] =	sst s9;
	s0 =	simm.s32 @!p0 $0x0  }
0x12: {  	s1 =	sld [smem:$0x3F9D];
	s0 =	simm.s32 @p0 $0x1  }
0x13: {  	[smem:$0x3FB8] =	sst s0;
	s0 =	simm.s32 @!p1 $0x0  }
0x14: {  	s2 =	sld [smem:$0x3F9C];
	s0 =	simm.s32 @p1 $0x1  }
0x15: {  	[smem:$0x3FB9] =	sst s0;
	s0 =	simm.s32 @!p2 $0x0  }
0x16: {  	s3 =	sld [smem:$0x3FDB];
	s0 =	simm.s32 @p2 $0x1  }
0x17: {  	s4 =	simm.s32 $0x1BF5;
	[smem:$0x3FBB] =	sst s0  }
0x18: {  	s0 =	sld [smem:$0x3F9E];
	_ =	swait.ge [sflag:s4], $0x0  }
0x19: {  	s7 =	sld [smem:$0x3F9F]  }
0x1a: {  	s8 =	sadd.s32 $0xFFFFE003, lr  }
0x1b: {  	s9 =	sadd.s32 $0xFFFFFEF7, lr;
	s5 =	simm.s32 $0xFFFFFFFF;
	p2 =	slt.u32 s8, $0xFFFFF086  }
0x1c: {  	p1 =	slt.u32 s9, $0xF7A;
	s5 =	simm.s32 @!p2 $0x0  }
0x1d: {  	s5 =	simm.s32 @p1 $0x1;
	p0 =	seq.s32 s7, s2  }
0x1e: {  	s7 =	smul.u32 @!p0 $0xF7A, s2;
	p2 =	seq.s32 @!p0 s5, $0x0  }
0x1f: {  	s9 =	smul.u32 $0xF7A, s1;
	s8 =	simm.s32 @!p0 $0x1BF5;
	p2 =	por !p2, p0  }
0x20: {  	[sflag:s8] =	ssyncset.s32 @!p0 $0xFFFFF086;
	s6 =	sadd.s32 @!p0 s3, s7;
	s7 =	simm.s32 @!p0 $0x108  }
0x21: {  	s3 =	sadd.s32 s3, s9;
	s6 =	sadd.s32 @!p0 $0x88, s6;
	s7 =	simm.s32 @p2 $0x1082  }
0x22: {  	[simem:s7], [sflag:s8] =	dma.local @!p0 [hbm:s6], $0xF7A  }
0x23: {  	s9 =	sor.u32 $0xD0000000, s2;
	s6 =	simm.s32 $0x108;
	_ =	swait.ge @!p0 [sflag:s8], $0x0  }
0x24: {  	s3 =	sadd.s32 $0x88, s3;
	s6 =	simm.s32 @!p1 $0x1082;
	[sflag:s4] =	ssyncset.s32 $0xFFFFF086  }
0x25: {  	[simem:s6], [sflag:s4] =	dma.local [hbm:s3], $0xF7A  }
0x26: {  	[smem:$0x3F9F] =	sst s1;
	(tag) =	ssettag s2;
	_ =	strace s9  }
0x27: {  	s1 =	sld [smem:$0x3FAF]  }
0x28: {  	s2 =	sld [smem:$0x3FB0]  }
0x29: {  	s4 =	sld [smem:$0x3FB2]  }
0x2a: {  	p0 =	seq.s32 s5, $0x0;
	s5 =	sld [smem:$0x3FB3]  }
0x2b: {  	s6 =	sld [smem:$0x3FB4]  }
0x2c: {  	s7 =	sld [smem:$0x3FB5]  }
0x2d: {  	s3 =	simm.s32 $0x108;
	s8 =	sld [smem:$0x3FB6]  }
0x2e: {  	s3 =	simm.s32 @!p0 $0x1082;
	s9 =	sld [smem:$0x3FB7]  }
0x2f: {  	lr =	sadd.s32 s0, s3;
	s0 =	sld [smem:$0x3FAE]  }
0x30: {  	s3 =	sld [smem:$0x3FB1]  }
0x31: {  	[smem:$0x3FBA] =	sst s10  }
0x32: {  	s10 =	sld [smem:$0x3FB8];
	_ =	sdelay $0x3  }
0x33: {  	p0 =	seq.s32 s10, $0x1;
	s10 =	sld [smem:$0x3FBA];
	_ =	sdelay $0x3  }
0x34: {  	[smem:$0x3FBA] =	sst s10  }
0x35: {  	s10 =	sld [smem:$0x3FB9];
	_ =	sdelay $0x3  }
0x36: {  	p1 =	seq.s32 s10, $0x1;
	s10 =	sld [smem:$0x3FBA];
	_ =	sdelay $0x3  }
0x37: {  	[smem:$0x3FBA] =	sst s10  }
0x38: {  	s10 =	sld [smem:$0x3FBB]  }
0x39: {  	_ = 	snop;
	(pc) =	sbr.ind lr, $3  }
0x3a: {  	_ = 	snop  }
0x3b: {  	_ = 	snop  }
0x3c: {  	p2 =	seq.s32 s10, $0x1;
	s10 =	sld [smem:$0x3FBA]  }
0x3d: {  	_ =	shalt  }
0x3e: {  	_ =	shalt  }
0x3f: {  	_ =	shalt  }
0x40: {  	_ =	shalt  }
0x41: {  	_ =	shalt  }
0x42: {  	_ =	shalt  }
0x43: {  	_ =	shalt  }
0x44: {  	_ =	shalt  }
0x45: {  	_ =	shalt  }
0x46: {  	_ =	shalt  }
0x47: {  	_ =	shalt  }
0x48: {  	_ =	shalt  }
0x49: {  	_ =	shalt  }
0x4a: {  	_ =	shalt  }
0x4b: {  	_ =	shalt  }
0x4c: {  	_ =	shalt  }
0x4d: {  	_ =	shalt  }
0x4e: {  	_ =	shalt  }
0x4f: {  	_ =	shalt  }
0x50: {  	_ =	shalt  }
0x51: {  	_ =	shalt  }
0x52: {  	_ =	shalt  }
0x53: {  	_ =	shalt  }
0x54: {  	_ =	shalt  }
0x55: {  	_ =	shalt  }
0x56: {  	_ =	shalt  }
0x57: {  	_ =	shalt  }
0x58: {  	_ =	shalt  }
0x59: {  	_ =	shalt  }
0x5a: {  	_ =	shalt  }
0x5b: {  	_ =	shalt  }
0x5c: {  	_ =	shalt  }
0x5d: {  	_ =	shalt  }
0x5e: {  	_ =	shalt  }
0x5f: {  	_ =	shalt  }
0x60: {  	_ =	shalt  }
0x61: {  	_ =	shalt  }
0x62: {  	_ =	shalt  }
0x63: {  	_ =	shalt  }
0x64: {  	_ =	shalt  }
0x65: {  	_ =	shalt  }
0x66: {  	_ =	shalt  }
0x67: {  	_ =	shalt  }
0x68: {  	_ =	shalt  }
0x69: {  	_ =	shalt  }
0x6a: {  	_ =	shalt  }
0x6b: {  	_ =	shalt  }
0x6c: {  	_ =	shalt  }
0x6d: {  	_ =	shalt  }
0x6e: {  	_ =	shalt  }
0x6f: {  	_ =	shalt  }
0x70: {  	_ =	shalt  }
0x71: {  	_ =	shalt  }
0x72: {  	_ =	shalt  }
0x73: {  	_ =	shalt  }
0x74: {  	_ =	shalt  }
0x75: {  	_ =	shalt  }
0x76: {  	_ =	shalt  }
0x77: {  	_ =	shalt  }
0x78: {  	_ =	shalt  }
0x79: {  	_ =	shalt  }
0x7a: {  	_ =	shalt  }
0x7b: {  	_ =	shalt  }
0x7c: {  	_ =	shalt  }
0x7d: {  	_ =	shalt  }
0x7e: {  	_ =	shalt  }
0x7f: {  	_ =	shalt  }
0x80: {  	_ =	shalt  }
0x81: {  	_ =	shalt  }
0x82: {  	_ =	shalt  }
0x83: {  	_ =	shalt  }
0x84: {  	_ =	shalt  }
0x85: {  	_ =	shalt  }
0x86: {  	_ =	shalt  }
0x87: {  	_ =	shalt  }
.Lfunc_end0:
.L_simem_size_0:
called_computation_lowered:
.L_overlay_start_0:
0x88: {  	s2 =	sld [smem:$0x3FD9]  }
0x89: {  	s3 =	sld [smem:$0x3FFE];
	_ =	sdelay $0x1  }
0x8a: {  	s1 =	srdreg.scid  }
0x8b: {  	s0 =	sand.u32 $0x1, s1  }
0x8c: {  	s14 =	sshll.u32 s0, $0xA;
	s2 =	sadd.s32 s3, s2  }
0x8d: {  	s2 =	sadd.s32 s2, s14  }
0x8e: {  	[smem:$0x3FC6] =	sst s2  }
0x8f: {  	_ = 	snop  }
0x90: {  	s2 =	sld [smem:$0x3FD0];
	_ =	sdelay $0x2  }
0x91: {  	s15 =	simm.s32 $0xA;
	s4 =	simm.s32 $0x10  }
0x92: {  	[smem:s4], [sflag:s15] =	dma.local [hbm:s2], $0x1  }
0x93: {  	_ =	swait.eq [sflag:s15], $0x1  }
0x94: {  	[sflag:s15] =	ssyncset.done $0x0  }
0x95: {  	[sflag:s15] =	ssyncadd.s32 $0xFFFFFFFF  }
0x96: {  	s16 =	sld [smem:$0x10];
	(tm) =	ssettm $0x1  }
0x97: {  	s17 =	sld [smem:$0x3FFB];
	_ =	sdelay $0x3  }
0x98: {  	_ =	strace s17  }
0x99: {  	s3 =	sld [smem:$0x3FFC];
	_ =	sdelay $0x3  }
0x9a: {  	_ =	strace s3  }
0x9b: {  	s3 =	sld [smem:$0x3FFD];
	_ =	sdelay $0x3  }
0x9c: {  	_ =	strace s3  }
0x9d: {  	_ =	strace $0x8FFFFFFF  }
0x9e: {  	s18 =	sld [smem:$0x3FDB];
	_ =	sdelay $0x1  }
0x9f: {  	s19 =	simm.s32 $_scs_section_size  }
0xa0: {  	s5 =	simm.s32 $_size__tile_overlayer_lowered;
	s6 =	simm.s32 $_tile_overlayer_lowered  }
0xa1: {  	s22 =	simm.s32 $0x1BFF;
	s21 =	sshll.u32 s6, $0x1;
	s3 =	sadd.s32 s19, s18  }
0xa2: {  	s7 =	simm.s32 $0x0;
	s20 =	sshll.u32 s5, $0x1;
	s5 =	sadd.s32 s21, s3  }
0xa3: {  	[timem:s7], [sflag:s22] =	dma.local [hbm:s5], s20  }
0xa4: {  	_ =	swait.ge [sflag:s22], s20  }
0xa5: {  	s4 =	ssub.s32 $0x0, s20;
	[sflag:s22] =	ssyncset.done $0x0  }
0xa6: {  	[sflag:s22] =	ssyncadd.s32 s4;
	_ =	sdelay $0x1  }
0xa7: {  	s23 =	simm.s32 $0x1B8B  }
0xa8: {  	_ =	swait.ge [sflag:s23], $0x1  }
0xa9: {  	[sflag:s23] =	ssyncset.done $0x0  }
0xaa: {  	s25 =	simm.s32 $0x1B8E;
	s24 =	sld [smem:$0x3FFE];
	[sflag:s23] =	ssyncadd.s32 $0xFFFFFFFF  }
0xab: {  	s26 =	simm.s32 $execute0_lowered;
	[smem:$0x3FD2] =	sst s25  }
0xac: {  	s5 =	sshll.u32 s26, $0x1;
	_ =	strace $0x80000046;
	[dreg:$0x1] =	wrdreg $0xFFFFFFFF  }
0xad: {  	s28 =	simm.s32 $_size_execute0_lowered;
	s3 =	sadd.s32 s3, s5;
	[dreg:$0x0] =	wrdreg $0x0  }
0xae: {  	s5 =	sshll.u32 s28, $0x1;
	[dreg:$0x2] =	wrdreg s3  }
0xaf: {  	[dreg:$0x3] =	wrdreg s5  }
0xb0: {  	[dreg:$0x4] =	wrdreg $0xC0  }
0xb1: {  	_ =	task [dreg:s7], $0x5FFFF  }
0xb2: {  	[dreg:$0x1] =	wrdreg $0xFFFFFFFF  }
0xb3: {  	[dreg:$0x0] =	wrdreg $0x60  }
0xb4: {  	[dreg:$0x2] =	wrdreg s24  }
0xb5: {  	[dreg:$0x3] =	wrdreg s16  }
0xb6: {  	[dreg:$0x4] =	wrdreg $0x9  }
0xb7: {  	_ =	task.clear_ibuf [dreg:s7], $0x5FFFF;
	_ =	strace $0x90000046  }
0xb8: {  	s29 =	simm.s32 $0x9;
	_ =	strace $0x80000048  }
0xb9: {  	_ =	swait.ge [sflag:s29], $0x1  }
0xba: {  	[sflag:s29] =	ssyncadd.s32 $0xFFFFFFFF  }
0xbb: {  	_ =	strace $0x90000048  }
0xbc: {  	_ =	sfence  }
0xbd: {  	s30 =	sld [smem:$0x0];
	_ =	sdelay $0x2  }
0xbe: {  	s31 =	sshll.u32 s1, $0xD;
	s1 =	sshrl.u32 s1, $0x2  }
0xbf: {  	s3 =	sand.u32 $0x4000, s31;
	s1 =	sadd.s32 s1, s30  }
0xc0: {  	s0 =	sor.u32 s3, s0;
	s1 =	sshll.u32 s1, $0x11  }
0xc1: {  	s0 =	sor.u32 s1, s0  }
0xc2: {  	s0 =	sadd.s32 $0x8F2B, s0  }
0xc3: {  	[sflag:s0] =	ssyncadd.remote.s32 $0x1  }
0xc4: {  	_ =	sfence.sel $0xFFFF  }
0xc5: {  	[dreg:$0x0] =	wrdreg $0xFFFFFFFF;
	(pc) =	sbr.abs _section_cstart, $3  }
0xc6: {  	[dreg:$0x1] =	wrdreg $0xFFFFFFFF  }
0xc7: {  	_ =	task.clear_ibuf [dreg:s7], $0x2FFFF;
	_ =	strace $0x9FFFFFFF  }
0xc8: {  	(tm) =	ssettm $0x7FFFFFFF  }
0xc9: {  	_ =	shalt  }
tec
execute0_lowered:
.L_overlay_start_1:
0x0: {  	(tag) =	ssettag $0x1  }
0x1: {  	s4 =	rddreg [dreg:$0x0]  }
0x2: {  	s1 =	srdreg.scid;
	s0 =	stileid.u32  }
0x3: {  	s5 =	rddreg [dreg:$0x1];
	s2 =	simm.s32 $0x0;
	s10 =	simm.s32 $0x500  }
0x4: {  	s11 =	simm.s32 $0x1;
	s3 =	sand.u32 $0x1, s1;
	s6 =	sshll.u32 s0, $0x1  }
0x5: {  	s12 =	simm.s32 $0x0;
	s1 =	rddreg [dreg:$0x2];
	s6 =	sor.u32 s3, s6  }
0x6: {  	[smem:$0x7FF] =	sst s2;
	s8 =	ssub.s32 $0x2, s3;
	s7 =	smul.u32 $0x30, s6  }
0x7: {  	_ =	strace $0x80000047;
	s9 =	sshrl.u32 s8, $0x1;
	s6 =	smul.u32 $0x3000, s6  }
0x8: {  	s3 =	sadd.s32 $0x1200, s4;
	s31 =	ssub.s32 s8, s9;
	s8 =	simm.s32 $0x300  }
0x9: {  	v1 =	vlaneseq.u32;
	s9 =	simm.s32 $0x200;
	s4 =	sadd.s32 s7, s4;
	s5 =	sadd.s32 s5, s6  }
0xa: {  	v0 =	vshrl.u32 v1, $0x1;
	v1 =	vand.u32 $0x1, v1;
	s6 =	smax.u32 s31, $0x1;
	s7 =	simm.s32 $0x2;
	s4 =	sadd.s32 $0x9200, s4  }
.LBB2_1:
0xb: {  	[tilespmem:s2], [sflag:$0x2] =	stream.linear.gather [hbm4b:s4+s2], $0x180, $0x38;
	[tilespmem:$0x18500] =	vst v63  }
0xc: {  	_ =	swait.ge [sflag:s7], $0x180  }
0xd: {  	[sflag:s7] =	ssyncset.done $0x0  }
0xe: {  	s13 =	simm.s32 $0x0;
	[sflag:s7] =	ssyncadd.s32 $0xFFFFFE80  }
0xf: {  	v2 =	vld [tilespmem:s13+$0x0];
	_ =	sdelay $0x4  }
0x10: {  	v2 =	vperm.xlane v2, v0;
	_ =	sdelay $0x1  }
0x11: {  	v2 =	vshll.u32 v2, $0x1  }
0x12: {  	v2 =	vor.u32 v1, v2  }
0x13: {  	s15 =	simm.s32 $0x8;
	s14 =	simm.s32 $0x40;
	s13 =	simm.s32 $0x200;
	[tilespmem:s9+$0x0] =	vst v2  }
.LBB2_2:
0x14: {  	p0 =	sne.s32 s14, $0x5E0;
	v2 =	vld [tilespmem:s15+$0x0];
	_ =	sdelay $0x4  }
.Ltmp0:
0x15: {  	v2 =	vperm.xlane v2, v0;
	(pc) =	sbr.rel @p0 .LBB2_2-.Ltmp0, $4  }
0x16: {  	_ = 	snop  }
0x17: {  	v2 =	vshll.u32 v2, $0x1  }
0x18: {  	s13 =	sadd.s32 $0x10, s13;
	v2 =	vor.u32 v1, v2  }
0x19: {  	s15 =	sshra.s32 s14, $0x2;
	s14 =	sadd.s32 $0x20, s14;
	[tilespmem:s13+$0x0] =	vst v2  }
0x1a: {  	v2 =	vld [tilespmem:s15+$0x0];
	_ =	sdelay $0x4  }
0x1b: {  	v2 =	vperm.xlane v2, v0;
	_ =	sdelay $0x1  }
0x1c: {  	v2 =	vshll.u32 v2, $0x1  }
0x1d: {  	s13 =	sadd.s32 $0x10, s13;
	v2 =	vor.u32 v1, v2  }
0x1e: {  	[tilespmem:s13+$0x0] =	vst v2  }
0x1f: {  	[tilespmem:s10], [sflag:$0x1] =	stream.indirect.gather [hbm4b:s3+s8], $0x80, s9, s8, $0xb8;
	[tilespmem:$0x18500] =	vst v63  }
0x20: {  	s12 =	sadd.s32 $0x1, s12;
	_ =	swait.ge [sflag:s11], $0x18000  }
0x21: {  	p0 =	sne.s32 s12, s6;
	[sflag:s11] =	ssyncset.done $0x0  }
.Ltmp1:
0x22: {  	[sflag:s11] =	ssyncadd.s32 $0xFFFE8000;
	(pc) =	sbr.rel @p0 .LBB2_1-.Ltmp1, $4  }
0x23: {  	[hbm4b:s5+s2] =	stream.linear.scatter [tilespmem:s10], [sflag:$0x2], $0x18000, $0x38;
	[tilespmem:$0x18500] =	vst v63  }
0x24: {  	_ =	swait.ge [sflag:s7], $0x18000  }
0x25: {  	[sflag:s7] =	ssyncset.done $0x0  }
0x26: {  	[sflag:s7] =	ssyncadd.s32 $0xFFFE8000  }
0x27: {  	_ =	sfence.sel $0x180000  }
0x28: {  	[bflag:$0x0] =	sbarrier.arrive $0xFFFF  }
0x29: {  	p0 =	sne.s32 s0, $0x0;
	_ =	strace $0x90000047  }
0x2a: {  	s0 =	sadd.s32 @!p0 $0x100000, s1;
	[bflag:$0x2] =	sbarrier.arrive $0xFFFF  }
0x2b: {  	[sflag:s0] =	ssyncadd.tile.s32 @!p0 $0x1;
	_ =	shalt  }
.Lfunc_end2:
_tile_overlayer_lowered:
.L_overlay_start_2:
0x2c: {  	(tag) =	ssettag $0x2  }
0x2d: {  	s0 =	rddreg [dreg:$0x0];
	s2 =	stileid.u32  }
0x2e: {  	s1 =	rddreg [dreg:$0x1];
	p0 =	sne.s32 s2, $0x0  }
0x2f: {  	s3 =	rddreg [dreg:$0x2];
	[bflag:$0x3] =	sbarrier.arrive $0xFFFF;
	s2 =	simm.s32 @!p0 $0x1C02  }
0x30: {  	[timem:s3], [sflag:s2] =	dma.local @!p0 [hbm:s0], s1  }
0x31: {  	s0 =	simm.s32 @!p0 $0x2  }
0x32: {  	_ =	swait.ge @!p0 [sflag:s0], s1  }
0x33: {  	s1 =	ssub.s32 @!p0 $0x0, s1;
	[sflag:s0] =	ssyncset.done @!p0 $0x0  }
0x34: {  	[sflag:s0] =	ssyncadd.s32 @!p0 s1  }
0x35: {  	[bflag:$0x3] =	sbarrier.arrive $0xFFFF  }
0x36: {  	_ =	shalt  }

</sc_bundles>
